<compile_context>
chip_gen: v7x
topology: tpu7x:2x2x1
jax: 0.10.2.dev20260603
libtpu: 0.0.44.dev20260713+nightly
codegen_flags: <defaults>
</compile_context>

<pallas_src>
import functools

import jax
import jax.numpy as jnp
from jax import lax
from jax.experimental import pallas as pl
from jax.experimental.pallas import tpu as pltpu
from jax.experimental.pallas import tpu_sc as plsc

N_NODES = 10000
N_EDGES = 320000
D = 128

NC = 2
NS = 16
NW = NC * NS
L = 16

B = 128
NBATCH = 79
E_PAD = NW * NBATCH * B
ACC_ROWS = 10240
PAD_ROW = N_NODES
ZCHUNK = ACC_ROWS // NS // B
OUT_ROWS_PER_TILE = ACC_ROWS // NS


def _sc_agg_body(x_hbm, srci_hbm, dsti_hbm, out_hbm, acc, srcv, dstv, rows):
    c = lax.axis_index("c")
    s = lax.axis_index("s")
    w = c * NS + s

    @pl.loop(0, B)
    def _(i):
        for k in range(D // L):
            rows[i, pl.ds(k * L, L)] = jnp.zeros((L,), jnp.float32)

    for k in range(ZCHUNK):
        pltpu.sync_copy(rows, acc.at[pl.ds((s * ZCHUNK + k) * B, B), :])

    pltpu.sync_copy(srci_hbm.at[w], srcv)
    pltpu.sync_copy(dsti_hbm.at[w], dstv)
    plsc.subcore_barrier()

    @pl.loop(0, NBATCH)
    def _(j):
        pltpu.sync_copy(x_hbm.at[srcv.at[j]], rows)
        pltpu.sync_copy(rows, acc.at[dstv.at[j]], add=True)

    plsc.subcore_barrier()
    pltpu.sync_copy(acc.at[pl.ds(s * OUT_ROWS_PER_TILE, OUT_ROWS_PER_TILE), :],
                    out_hbm.at[c].at[pl.ds(s * OUT_ROWS_PER_TILE,
                                           OUT_ROWS_PER_TILE), :])


_sc_agg = functools.partial(
    pl.kernel,
    out_type=jax.ShapeDtypeStruct((NC, ACC_ROWS, D), jnp.float32),
    mesh=plsc.VectorSubcoreMesh(core_axis_name="c", subcore_axis_name="s"),
    scratch_types=[
        pltpu.VMEM_SHARED((ACC_ROWS, D), jnp.float32),
        pltpu.VMEM((NBATCH, B), jnp.int32),
        pltpu.VMEM((NBATCH, B), jnp.int32),
        pltpu.VMEM((B, D), jnp.float32),
    ],
)(_sc_agg_body)


R = 1000


def _tc_mlp_body(eps_ref, x_ref, p0_ref, p1_ref, w1_ref, b1_ref, w2_ref,
                 b2_ref, o_ref):
    h = (1.0 + eps_ref[0, 0]) * x_ref[...] + p0_ref[0] + p1_ref[0]
    h = jnp.dot(h, w1_ref[...], preferred_element_type=jnp.float32)
    h = jnp.maximum(h + b1_ref[...], 0.0)
    o = jnp.dot(h, w2_ref[...], preferred_element_type=jnp.float32)
    o_ref[...] = o + b2_ref[...]


def _tc_mlp(eps, x, partials, W1, b1, W2, b2):
    return pl.pallas_call(
        _tc_mlp_body,
        grid=(N_NODES // R,),
        in_specs=[
            pl.BlockSpec(memory_space=pltpu.SMEM),
            pl.BlockSpec((R, D), lambda i: (i, 0)),
            pl.BlockSpec((1, R, D), lambda i: (0, i, 0)),
            pl.BlockSpec((1, R, D), lambda i: (1, i, 0)),
            pl.BlockSpec((D, D), lambda i: (0, 0)),
            pl.BlockSpec((1, D), lambda i: (0, 0)),
            pl.BlockSpec((D, D), lambda i: (0, 0)),
            pl.BlockSpec((1, D), lambda i: (0, 0)),
        ],
        out_specs=pl.BlockSpec((R, D), lambda i: (i, 0)),
        out_shape=jax.ShapeDtypeStruct((N_NODES, D), jnp.float32),
    )(eps, x, partials, partials, W1, b1, W2, b2)


def kernel(x, edge_index, edge_attr, eps, W1, b1, W2, b2):
    del edge_attr
    src = edge_index[0].astype(jnp.int32)
    dst = edge_index[1].astype(jnp.int32)
    pad = E_PAD - N_EDGES
    src_p = jnp.concatenate(
        [src, jnp.zeros((pad,), jnp.int32)]).reshape(NW, NBATCH, B)
    dst_p = jnp.concatenate(
        [dst, jnp.full((pad,), PAD_ROW, jnp.int32)]).reshape(NW, NBATCH, B)
    partials = _sc_agg(x, src_p, dst_p)
    return _tc_mlp(eps.reshape(1, 1), x, partials, W1, b1.reshape(1, D),
                   W2, b2.reshape(1, D))

# --- scband reference (transcript-rebuilt; emitter-appended) ---
"""Pipeline reference for scband-ginconv-87806311399693 (READ-ONLY COPY).

The authoritative reference and input builder live on the scoring server;
editing this copy changes nothing except your own understanding.
"""

import jax, jax.numpy as jnp
import numpy as np

N_NODES = 10000
N_EDGES = 320000
D_FEAT = 128
D_EDGE = 16

def setup_inputs(seed: int = 0) -> dict:
    key = jax.random.key(seed)
    k1, k2, k3, k4, k5, k6, k7 = jax.random.split(key, 7)
    x = jax.random.normal(k1, (N_NODES, D_FEAT), dtype=jnp.float32)
    edge_index = jax.random.randint(k2, (2, N_EDGES), 0, N_NODES)
    edge_attr = jax.random.normal(k3, (N_EDGES, D_EDGE), dtype=jnp.float32)
    eps = jnp.zeros((), dtype=jnp.float32)  # train_eps=True, initialized to 0
    W1 = jax.random.normal(k4, (D_FEAT, D_FEAT), dtype=jnp.float32) * 0.05
    b1 = jnp.zeros((D_FEAT,), dtype=jnp.float32)
    W2 = jax.random.normal(k5, (D_FEAT, D_FEAT), dtype=jnp.float32) * 0.05
    b2 = jnp.zeros((D_FEAT,), dtype=jnp.float32)
    return {"x": x, "edge_index": edge_index, "edge_attr": edge_attr, "eps": eps, "W1": W1, "b1": b1, "W2": W2, "b2": b2}

def reference(x, edge_index, edge_attr, eps, W1, b1, W2, b2):
    # GINConv: out = MLP((1 + eps) * x_i + sum_{j in N(i)} x_j); edge_attr is ignored by forward
    src = edge_index[0]
    dst = edge_index[1]
    msgs = jnp.take(x, src, axis=0)                       # gather (SparseCore)
    agg = jax.ops.segment_sum(msgs, dst, num_segments=x.shape[0])  # scatter-add
    h = (1.0 + eps) * x + agg
    # MLP: Linear -> ReLU -> Linear (dropout=0.0 is identity)
    h = jnp.maximum(h @ W1 + b1, 0.0)
    out = h @ W2 + b2
    return out

if __name__ == "__main__":
    import jax
    _d = setup_inputs()
    print(jax.jit(kernel)(*tuple(_d.values())))

</pallas_src>

<mosaic_0001>
#map = affine_map<(d0, d1) -> (0, 0)>
#map1 = affine_map<(d0, d1) -> (0, 0, 0)>
module attributes {stable_mosaic.version = 14 : i64} {
  func.func @_sc_agg_body(%arg0: i32, %arg1: i32, %arg2: memref<10000x128xf32, #tpu.memory_space<hbm>>, %arg3: memref<32x79x128xi32, #tpu.memory_space<hbm>>, %arg4: memref<32x79x128xi32, #tpu.memory_space<hbm>>, %arg5: memref<2x10240x128xf32, #tpu.memory_space<hbm>>, %arg6: memref<10240x128xf32, #tpu.memory_space<vmem_shared>>, %arg7: memref<79x128xi32, #tpu.memory_space<vmem>>, %arg8: memref<79x128xi32, #tpu.memory_space<vmem>>, %arg9: memref<128x128xf32, #tpu.memory_space<vmem>>) attributes {dimension_semantics = [#tpu.dimension_semantics<core_parallel>, #tpu.dimension_semantics<subcore_parallel>], iteration_bounds = array<i64: 2, 16>, scalar_prefetch = 0 : i64, scratch_operands = 4 : i64, tpu.core_type = #tpu.core_type<sc_vector_subcore>, window_params = [{transform_indices = #map}, {transform_indices = #map1}, {transform_indices = #map1}, {transform_indices = #map1}]} {
    %mul3A = arith.constant 16 : i32
    %mul3A_0 = arith.muli %arg0, %mul3A : i32
    %add3A = arith.addi %mul3A_0, %arg1 : i32
    %scan3A = arith.constant 0 : i32
    %scan3A_1 = arith.constant 128 : i32
    %scan3A_2 = arith.addi %scan3A, %scan3A_1 : i32
    %scan3A_3 = arith.constant 1 : i32
    scf.for %scan3A_45 = %scan3A to %scan3A_2 step %scan3A_3  : i32 {
      %mul3A_46 = arith.constant 1 : i32
      %mul3A_47 = arith.muli %scan3A_45, %mul3A_46 : i32
      %add3A_48 = arith.constant 0 : i32
      %add3A_49 = arith.addi %add3A_48, %mul3A_47 : i32
      %broadcast_in_dim3A = arith.constant 0.000000e+00 : f32
      %broadcast_in_dim3A_50 = vector.broadcast %broadcast_in_dim3A : f32 to vector<16xf32>
      %swap3A = arith.index_cast %add3A_49 : i32 to index
      %swap3A_51 = arith.constant 0 : index
      %swap3A_52 = tpu.vector_load %arg9[%swap3A, %swap3A_51] {strides = array<i32>} : memref<128x128xf32, #tpu.memory_space<vmem>>, vector<1x16xf32>,
      %swap3A_53 = vector.shape_cast %swap3A_52 : vector<1x16xf32> to vector<16xf32>
      %swap3A_54 = vector.shape_cast %broadcast_in_dim3A_50 : vector<16xf32> to vector<1x16xf32>
      tpu.vector_store %arg9[%swap3A, %swap3A_51], %swap3A_54 {strides = array<i32>} : memref<128x128xf32, #tpu.memory_space<vmem>>, vector<1x16xf32>,
      %broadcast_in_dim3A_55 = arith.constant 0.000000e+00 : f32
      %broadcast_in_dim3A_56 = vector.broadcast %broadcast_in_dim3A_55 : f32 to vector<16xf32>
      %swap3A_57 = arith.index_cast %add3A_49 : i32 to index
      %swap3A_58 = arith.constant 16 : index
      %swap3A_59 = tpu.vector_load %arg9[%swap3A_57, %swap3A_58] {strides = array<i32>} : memref<128x128xf32, #tpu.memory_space<vmem>>, vector<1x16xf32>,
      %swap3A_60 = vector.shape_cast %swap3A_59 : vector<1x16xf32> to vector<16xf32>
      %swap3A_61 = vector.shape_cast %broadcast_in_dim3A_56 : vector<16xf32> to vector<1x16xf32>
      tpu.vector_store %arg9[%swap3A_57, %swap3A_58], %swap3A_61 {strides = array<i32>} : memref<128x128xf32, #tpu.memory_space<vmem>>, vector<1x16xf32>,
      %broadcast_in_dim3A_62 = arith.constant 0.000000e+00 : f32
      %broadcast_in_dim3A_63 = vector.broadcast %broadcast_in_dim3A_62 : f32 to vector<16xf32>
      %swap3A_64 = arith.index_cast %add3A_49 : i32 to index
      %swap3A_65 = arith.constant 32 : index
      %swap3A_66 = tpu.vector_load %arg9[%swap3A_64, %swap3A_65] {strides = array<i32>} : memref<128x128xf32, #tpu.memory_space<vmem>>, vector<1x16xf32>,
      %swap3A_67 = vector.shape_cast %swap3A_66 : vector<1x16xf32> to vector<16xf32>
      %swap3A_68 = vector.shape_cast %broadcast_in_dim3A_63 : vector<16xf32> to vector<1x16xf32>
      tpu.vector_store %arg9[%swap3A_64, %swap3A_65], %swap3A_68 {strides = array<i32>} : memref<128x128xf32, #tpu.memory_space<vmem>>, vector<1x16xf32>,
      %broadcast_in_dim3A_69 = arith.constant 0.000000e+00 : f32
      %broadcast_in_dim3A_70 = vector.broadcast %broadcast_in_dim3A_69 : f32 to vector<16xf32>
      %swap3A_71 = arith.index_cast %add3A_49 : i32 to index
      %swap3A_72 = arith.constant 48 : index
      %swap3A_73 = tpu.vector_load %arg9[%swap3A_71, %swap3A_72] {strides = array<i32>} : memref<128x128xf32, #tpu.memory_space<vmem>>, vector<1x16xf32>,
      %swap3A_74 = vector.shape_cast %swap3A_73 : vector<1x16xf32> to vector<16xf32>
      %swap3A_75 = vector.shape_cast %broadcast_in_dim3A_70 : vector<16xf32> to vector<1x16xf32>
      tpu.vector_store %arg9[%swap3A_71, %swap3A_72], %swap3A_75 {strides = array<i32>} : memref<128x128xf32, #tpu.memory_space<vmem>>, vector<1x16xf32>,
      %broadcast_in_dim3A_76 = arith.constant 0.000000e+00 : f32
      %broadcast_in_dim3A_77 = vector.broadcast %broadcast_in_dim3A_76 : f32 to vector<16xf32>
      %swap3A_78 = arith.index_cast %add3A_49 : i32 to index
      %swap3A_79 = arith.constant 64 : index
      %swap3A_80 = tpu.vector_load %arg9[%swap3A_78, %swap3A_79] {strides = array<i32>} : memref<128x128xf32, #tpu.memory_space<vmem>>, vector<1x16xf32>,
      %swap3A_81 = vector.shape_cast %swap3A_80 : vector<1x16xf32> to vector<16xf32>
      %swap3A_82 = vector.shape_cast %broadcast_in_dim3A_77 : vector<16xf32> to vector<1x16xf32>
      tpu.vector_store %arg9[%swap3A_78, %swap3A_79], %swap3A_82 {strides = array<i32>} : memref<128x128xf32, #tpu.memory_space<vmem>>, vector<1x16xf32>,
      %broadcast_in_dim3A_83 = arith.constant 0.000000e+00 : f32
      %broadcast_in_dim3A_84 = vector.broadcast %broadcast_in_dim3A_83 : f32 to vector<16xf32>
      %swap3A_85 = arith.index_cast %add3A_49 : i32 to index
      %swap3A_86 = arith.constant 80 : index
      %swap3A_87 = tpu.vector_load %arg9[%swap3A_85, %swap3A_86] {strides = array<i32>} : memref<128x128xf32, #tpu.memory_space<vmem>>, vector<1x16xf32>,
      %swap3A_88 = vector.shape_cast %swap3A_87 : vector<1x16xf32> to vector<16xf32>
      %swap3A_89 = vector.shape_cast %broadcast_in_dim3A_84 : vector<16xf32> to vector<1x16xf32>
      tpu.vector_store %arg9[%swap3A_85, %swap3A_86], %swap3A_89 {strides = array<i32>} : memref<128x128xf32, #tpu.memory_space<vmem>>, vector<1x16xf32>,
      %broadcast_in_dim3A_90 = arith.constant 0.000000e+00 : f32
      %broadcast_in_dim3A_91 = vector.broadcast %broadcast_in_dim3A_90 : f32 to vector<16xf32>
      %swap3A_92 = arith.index_cast %add3A_49 : i32 to index
      %swap3A_93 = arith.constant 96 : index
      %swap3A_94 = tpu.vector_load %arg9[%swap3A_92, %swap3A_93] {strides = array<i32>} : memref<128x128xf32, #tpu.memory_space<vmem>>, vector<1x16xf32>,
      %swap3A_95 = vector.shape_cast %swap3A_94 : vector<1x16xf32> to vector<16xf32>
      %swap3A_96 = vector.shape_cast %broadcast_in_dim3A_91 : vector<16xf32> to vector<1x16xf32>
      tpu.vector_store %arg9[%swap3A_92, %swap3A_93], %swap3A_96 {strides = array<i32>} : memref<128x128xf32, #tpu.memory_space<vmem>>, vector<1x16xf32>,
      %broadcast_in_dim3A_97 = arith.constant 0.000000e+00 : f32
      %broadcast_in_dim3A_98 = vector.broadcast %broadcast_in_dim3A_97 : f32 to vector<16xf32>
      %swap3A_99 = arith.index_cast %add3A_49 : i32 to index
      %swap3A_100 = arith.constant 112 : index
      %swap3A_101 = tpu.vector_load %arg9[%swap3A_99, %swap3A_100] {strides = array<i32>} : memref<128x128xf32, #tpu.memory_space<vmem>>, vector<1x16xf32>,
      %swap3A_102 = vector.shape_cast %swap3A_101 : vector<1x16xf32> to vector<16xf32>
      %swap3A_103 = vector.shape_cast %broadcast_in_dim3A_98 : vector<16xf32> to vector<1x16xf32>
      tpu.vector_store %arg9[%swap3A_99, %swap3A_100], %swap3A_103 {strides = array<i32>} : memref<128x128xf32, #tpu.memory_space<vmem>>, vector<1x16xf32>,
    }
    %scan3A_4 = arith.constant 128 : i32
    %mul3A_5 = arith.constant 5 : i32
    %mul3A_6 = arith.muli %arg1, %mul3A_5 : i32
    %add3A_7 = arith.constant 0 : i32
    %add3A_8 = arith.addi %mul3A_6, %add3A_7 : i32
    %mul3A_9 = arith.constant 128 : i32
    %mul3A_10 = arith.muli %add3A_8, %mul3A_9 : i32
    "tpu.region"() ({
      %run_scoped3A = tpu.sem_alloc : memref<!tpu.dma_semaphore, #tpu.memory_space<semaphore_mem>>
      %dma_start3A = arith.constant 0 : i32
      %dma_start3A_45 = tpu.memref_slice %arg6[%mul3A_10, %dma_start3A] : memref<10240x128xf32, #tpu.memory_space<vmem_shared>> -> memref<128x128xf32, #tpu.memory_space<vmem_shared>>
      %dma_start3A_46 = arith.constant 0 : i32
      %dma_start3A_47 = tpu.memref_slice %arg6[%mul3A_10, %dma_start3A_46] : memref<10240x128xf32, #tpu.memory_space<vmem_shared>> -> memref<128x128xf32, #tpu.memory_space<vmem_shared>>
      tpu.enqueue_dma source(%arg9 : memref<128x128xf32, #tpu.memory_space<vmem>>) target(%dma_start3A_47 : memref<128x128xf32, #tpu.memory_space<vmem_shared>>) target_semaphore(%run_scoped3A : memref<!tpu.dma_semaphore, #tpu.memory_space<semaphore_mem>>)
      %dma_wait3A = arith.constant 0 : i32
      %dma_wait3A_48 = tpu.memref_slice %arg6[%mul3A_10, %dma_wait3A] : memref<10240x128xf32, #tpu.memory_space<vmem_shared>> -> memref<128x128xf32, #tpu.memory_space<vmem_shared>>
      %dma_wait3A_49 = arith.constant 0 : i32
      %dma_wait3A_50 = tpu.memref_slice %arg6[%mul3A_10, %dma_wait3A_49] : memref<10240x128xf32, #tpu.memory_space<vmem_shared>> -> memref<128x128xf32, #tpu.memory_space<vmem_shared>>
      tpu.wait_dma2 semaphore(%run_scoped3A : memref<!tpu.dma_semaphore, #tpu.memory_space<semaphore_mem>>) src(%arg9 : memref<128x128xf32, #tpu.memory_space<vmem>>) dst(%dma_wait3A_50 : memref<128x128xf32, #tpu.memory_space<vmem_shared>>)
      tpu.yield
    }) : () -> ()
    %mul3A_11 = arith.constant 5 : i32
    %mul3A_12 = arith.muli %arg1, %mul3A_11 : i32
    %add3A_13 = arith.constant 1 : i32
    %add3A_14 = arith.addi %mul3A_12, %add3A_13 : i32
    %mul3A_15 = arith.constant 128 : i32
    %mul3A_16 = arith.muli %add3A_14, %mul3A_15 : i32
    "tpu.region"() ({
      %run_scoped3A = tpu.sem_alloc : memref<!tpu.dma_semaphore, #tpu.memory_space<semaphore_mem>>
      %dma_start3A = arith.constant 0 : i32
      %dma_start3A_45 = tpu.memref_slice %arg6[%mul3A_16, %dma_start3A] : memref<10240x128xf32, #tpu.memory_space<vmem_shared>> -> memref<128x128xf32, #tpu.memory_space<vmem_shared>>
      %dma_start3A_46 = arith.constant 0 : i32
      %dma_start3A_47 = tpu.memref_slice %arg6[%mul3A_16, %dma_start3A_46] : memref<10240x128xf32, #tpu.memory_space<vmem_shared>> -> memref<128x128xf32, #tpu.memory_space<vmem_shared>>
      tpu.enqueue_dma source(%arg9 : memref<128x128xf32, #tpu.memory_space<vmem>>) target(%dma_start3A_47 : memref<128x128xf32, #tpu.memory_space<vmem_shared>>) target_semaphore(%run_scoped3A : memref<!tpu.dma_semaphore, #tpu.memory_space<semaphore_mem>>)
      %dma_wait3A = arith.constant 0 : i32
      %dma_wait3A_48 = tpu.memref_slice %arg6[%mul3A_16, %dma_wait3A] : memref<10240x128xf32, #tpu.memory_space<vmem_shared>> -> memref<128x128xf32, #tpu.memory_space<vmem_shared>>
      %dma_wait3A_49 = arith.constant 0 : i32
      %dma_wait3A_50 = tpu.memref_slice %arg6[%mul3A_16, %dma_wait3A_49] : memref<10240x128xf32, #tpu.memory_space<vmem_shared>> -> memref<128x128xf32, #tpu.memory_space<vmem_shared>>
      tpu.wait_dma2 semaphore(%run_scoped3A : memref<!tpu.dma_semaphore, #tpu.memory_space<semaphore_mem>>) src(%arg9 : memref<128x128xf32, #tpu.memory_space<vmem>>) dst(%dma_wait3A_50 : memref<128x128xf32, #tpu.memory_space<vmem_shared>>)
      tpu.yield
    }) : () -> ()
    %mul3A_17 = arith.constant 5 : i32
    %mul3A_18 = arith.muli %arg1, %mul3A_17 : i32
    %add3A_19 = arith.constant 2 : i32
    %add3A_20 = arith.addi %mul3A_18, %add3A_19 : i32
    %mul3A_21 = arith.constant 128 : i32
    %mul3A_22 = arith.muli %add3A_20, %mul3A_21 : i32
    "tpu.region"() ({
      %run_scoped3A = tpu.sem_alloc : memref<!tpu.dma_semaphore, #tpu.memory_space<semaphore_mem>>
      %dma_start3A = arith.constant 0 : i32
      %dma_start3A_45 = tpu.memref_slice %arg6[%mul3A_22, %dma_start3A] : memref<10240x128xf32, #tpu.memory_space<vmem_shared>> -> memref<128x128xf32, #tpu.memory_space<vmem_shared>>
      %dma_start3A_46 = arith.constant 0 : i32
      %dma_start3A_47 = tpu.memref_slice %arg6[%mul3A_22, %dma_start3A_46] : memref<10240x128xf32, #tpu.memory_space<vmem_shared>> -> memref<128x128xf32, #tpu.memory_space<vmem_shared>>
      tpu.enqueue_dma source(%arg9 : memref<128x128xf32, #tpu.memory_space<vmem>>) target(%dma_start3A_47 : memref<128x128xf32, #tpu.memory_space<vmem_shared>>) target_semaphore(%run_scoped3A : memref<!tpu.dma_semaphore, #tpu.memory_space<semaphore_mem>>)
      %dma_wait3A = arith.constant 0 : i32
      %dma_wait3A_48 = tpu.memref_slice %arg6[%mul3A_22, %dma_wait3A] : memref<10240x128xf32, #tpu.memory_space<vmem_shared>> -> memref<128x128xf32, #tpu.memory_space<vmem_shared>>
      %dma_wait3A_49 = arith.constant 0 : i32
      %dma_wait3A_50 = tpu.memref_slice %arg6[%mul3A_22, %dma_wait3A_49] : memref<10240x128xf32, #tpu.memory_space<vmem_shared>> -> memref<128x128xf32, #tpu.memory_space<vmem_shared>>
      tpu.wait_dma2 semaphore(%run_scoped3A : memref<!tpu.dma_semaphore, #tpu.memory_space<semaphore_mem>>) src(%arg9 : memref<128x128xf32, #tpu.memory_space<vmem>>) dst(%dma_wait3A_50 : memref<128x128xf32, #tpu.memory_space<vmem_shared>>)
      tpu.yield
    }) : () -> ()
    %mul3A_23 = arith.constant 5 : i32
    %mul3A_24 = arith.muli %arg1, %mul3A_23 : i32
    %add3A_25 = arith.constant 3 : i32
    %add3A_26 = arith.addi %mul3A_24, %add3A_25 : i32
    %mul3A_27 = arith.constant 128 : i32
    %mul3A_28 = arith.muli %add3A_26, %mul3A_27 : i32
    "tpu.region"() ({
      %run_scoped3A = tpu.sem_alloc : memref<!tpu.dma_semaphore, #tpu.memory_space<semaphore_mem>>
      %dma_start3A = arith.constant 0 : i32
      %dma_start3A_45 = tpu.memref_slice %arg6[%mul3A_28, %dma_start3A] : memref<10240x128xf32, #tpu.memory_space<vmem_shared>> -> memref<128x128xf32, #tpu.memory_space<vmem_shared>>
      %dma_start3A_46 = arith.constant 0 : i32
      %dma_start3A_47 = tpu.memref_slice %arg6[%mul3A_28, %dma_start3A_46] : memref<10240x128xf32, #tpu.memory_space<vmem_shared>> -> memref<128x128xf32, #tpu.memory_space<vmem_shared>>
      tpu.enqueue_dma source(%arg9 : memref<128x128xf32, #tpu.memory_space<vmem>>) target(%dma_start3A_47 : memref<128x128xf32, #tpu.memory_space<vmem_shared>>) target_semaphore(%run_scoped3A : memref<!tpu.dma_semaphore, #tpu.memory_space<semaphore_mem>>)
      %dma_wait3A = arith.constant 0 : i32
      %dma_wait3A_48 = tpu.memref_slice %arg6[%mul3A_28, %dma_wait3A] : memref<10240x128xf32, #tpu.memory_space<vmem_shared>> -> memref<128x128xf32, #tpu.memory_space<vmem_shared>>
      %dma_wait3A_49 = arith.constant 0 : i32
      %dma_wait3A_50 = tpu.memref_slice %arg6[%mul3A_28, %dma_wait3A_49] : memref<10240x128xf32, #tpu.memory_space<vmem_shared>> -> memref<128x128xf32, #tpu.memory_space<vmem_shared>>
      tpu.wait_dma2 semaphore(%run_scoped3A : memref<!tpu.dma_semaphore, #tpu.memory_space<semaphore_mem>>) src(%arg9 : memref<128x128xf32, #tpu.memory_space<vmem>>) dst(%dma_wait3A_50 : memref<128x128xf32, #tpu.memory_space<vmem_shared>>)
      tpu.yield
    }) : () -> ()
    %mul3A_29 = arith.constant 5 : i32
    %mul3A_30 = arith.muli %arg1, %mul3A_29 : i32
    %add3A_31 = arith.constant 4 : i32
    %add3A_32 = arith.addi %mul3A_30, %add3A_31 : i32
    %mul3A_33 = arith.constant 128 : i32
    %mul3A_34 = arith.muli %add3A_32, %mul3A_33 : i32
    "tpu.region"() ({
      %run_scoped3A = tpu.sem_alloc : memref<!tpu.dma_semaphore, #tpu.memory_space<semaphore_mem>>
      %dma_start3A = arith.constant 0 : i32
      %dma_start3A_45 = tpu.memref_slice %arg6[%mul3A_34, %dma_start3A] : memref<10240x128xf32, #tpu.memory_space<vmem_shared>> -> memref<128x128xf32, #tpu.memory_space<vmem_shared>>
      %dma_start3A_46 = arith.constant 0 : i32
      %dma_start3A_47 = tpu.memref_slice %arg6[%mul3A_34, %dma_start3A_46] : memref<10240x128xf32, #tpu.memory_space<vmem_shared>> -> memref<128x128xf32, #tpu.memory_space<vmem_shared>>
      tpu.enqueue_dma source(%arg9 : memref<128x128xf32, #tpu.memory_space<vmem>>) target(%dma_start3A_47 : memref<128x128xf32, #tpu.memory_space<vmem_shared>>) target_semaphore(%run_scoped3A : memref<!tpu.dma_semaphore, #tpu.memory_space<semaphore_mem>>)
      %dma_wait3A = arith.constant 0 : i32
      %dma_wait3A_48 = tpu.memref_slice %arg6[%mul3A_34, %dma_wait3A] : memref<10240x128xf32, #tpu.memory_space<vmem_shared>> -> memref<128x128xf32, #tpu.memory_space<vmem_shared>>
      %dma_wait3A_49 = arith.constant 0 : i32
      %dma_wait3A_50 = tpu.memref_slice %arg6[%mul3A_34, %dma_wait3A_49] : memref<10240x128xf32, #tpu.memory_space<vmem_shared>> -> memref<128x128xf32, #tpu.memory_space<vmem_shared>>
      tpu.wait_dma2 semaphore(%run_scoped3A : memref<!tpu.dma_semaphore, #tpu.memory_space<semaphore_mem>>) src(%arg9 : memref<128x128xf32, #tpu.memory_space<vmem>>) dst(%dma_wait3A_50 : memref<128x128xf32, #tpu.memory_space<vmem_shared>>)
      tpu.yield
    }) : () -> ()
    "tpu.region"() ({
      %run_scoped3A = tpu.sem_alloc : memref<!tpu.dma_semaphore, #tpu.memory_space<semaphore_mem>>
      %dma_start3A = arith.constant 0 : i32
      %dma_start3A_45 = arith.constant 0 : i32
      %dma_start3A_46 = tpu.memref_slice %arg3[%add3A, %dma_start3A, %dma_start3A_45] : memref<32x79x128xi32, #tpu.memory_space<hbm>> -> memref<1x79x128xi32, #tpu.memory_space<hbm>>
      %dma_start3A_47 = tpu.memref_squeeze %dma_start3A_46 : memref<1x79x128xi32, #tpu.memory_space<hbm>> -> memref<79x128xi32, #tpu.memory_space<hbm>>
      %dma_start3A_48 = arith.constant 0 : i32
      %dma_start3A_49 = arith.constant 0 : i32
      %dma_start3A_50 = tpu.memref_slice %arg3[%add3A, %dma_start3A_48, %dma_start3A_49] : memref<32x79x128xi32, #tpu.memory_space<hbm>> -> memref<1x79x128xi32, #tpu.memory_space<hbm>>
      %dma_start3A_51 = tpu.memref_squeeze %dma_start3A_50 : memref<1x79x128xi32, #tpu.memory_space<hbm>> -> memref<79x128xi32, #tpu.memory_space<hbm>>
      tpu.enqueue_dma source(%dma_start3A_51 : memref<79x128xi32, #tpu.memory_space<hbm>>) target(%arg7 : memref<79x128xi32, #tpu.memory_space<vmem>>) target_semaphore(%run_scoped3A : memref<!tpu.dma_semaphore, #tpu.memory_space<semaphore_mem>>)
      %dma_wait3A = arith.constant 0 : i32
      %dma_wait3A_52 = arith.constant 0 : i32
      %dma_wait3A_53 = tpu.memref_slice %arg3[%add3A, %dma_wait3A, %dma_wait3A_52] : memref<32x79x128xi32, #tpu.memory_space<hbm>> -> memref<1x79x128xi32, #tpu.memory_space<hbm>>
      %dma_wait3A_54 = tpu.memref_squeeze %dma_wait3A_53 : memref<1x79x128xi32, #tpu.memory_space<hbm>> -> memref<79x128xi32, #tpu.memory_space<hbm>>
      %dma_wait3A_55 = arith.constant 0 : i32
      %dma_wait3A_56 = arith.constant 0 : i32
      %dma_wait3A_57 = tpu.memref_slice %arg3[%add3A, %dma_wait3A_55, %dma_wait3A_56] : memref<32x79x128xi32, #tpu.memory_space<hbm>> -> memref<1x79x128xi32, #tpu.memory_space<hbm>>
      %dma_wait3A_58 = tpu.memref_squeeze %dma_wait3A_57 : memref<1x79x128xi32, #tpu.memory_space<hbm>> -> memref<79x128xi32, #tpu.memory_space<hbm>>
      tpu.wait_dma2 semaphore(%run_scoped3A : memref<!tpu.dma_semaphore, #tpu.memory_space<semaphore_mem>>) src(%dma_wait3A_58 : memref<79x128xi32, #tpu.memory_space<hbm>>) dst(%arg7 : memref<79x128xi32, #tpu.memory_space<vmem>>)
      tpu.yield
    }) : () -> ()
    "tpu.region"() ({
      %run_scoped3A = tpu.sem_alloc : memref<!tpu.dma_semaphore, #tpu.memory_space<semaphore_mem>>
      %dma_start3A = arith.constant 0 : i32
      %dma_start3A_45 = arith.constant 0 : i32
      %dma_start3A_46 = tpu.memref_slice %arg4[%add3A, %dma_start3A, %dma_start3A_45] : memref<32x79x128xi32, #tpu.memory_space<hbm>> -> memref<1x79x128xi32, #tpu.memory_space<hbm>>
      %dma_start3A_47 = tpu.memref_squeeze %dma_start3A_46 : memref<1x79x128xi32, #tpu.memory_space<hbm>> -> memref<79x128xi32, #tpu.memory_space<hbm>>
      %dma_start3A_48 = arith.constant 0 : i32
      %dma_start3A_49 = arith.constant 0 : i32
      %dma_start3A_50 = tpu.memref_slice %arg4[%add3A, %dma_start3A_48, %dma_start3A_49] : memref<32x79x128xi32, #tpu.memory_space<hbm>> -> memref<1x79x128xi32, #tpu.memory_space<hbm>>
      %dma_start3A_51 = tpu.memref_squeeze %dma_start3A_50 : memref<1x79x128xi32, #tpu.memory_space<hbm>> -> memref<79x128xi32, #tpu.memory_space<hbm>>
      tpu.enqueue_dma source(%dma_start3A_51 : memref<79x128xi32, #tpu.memory_space<hbm>>) target(%arg8 : memref<79x128xi32, #tpu.memory_space<vmem>>) target_semaphore(%run_scoped3A : memref<!tpu.dma_semaphore, #tpu.memory_space<semaphore_mem>>)
      %dma_wait3A = arith.constant 0 : i32
      %dma_wait3A_52 = arith.constant 0 : i32
      %dma_wait3A_53 = tpu.memref_slice %arg4[%add3A, %dma_wait3A, %dma_wait3A_52] : memref<32x79x128xi32, #tpu.memory_space<hbm>> -> memref<1x79x128xi32, #tpu.memory_space<hbm>>
      %dma_wait3A_54 = tpu.memref_squeeze %dma_wait3A_53 : memref<1x79x128xi32, #tpu.memory_space<hbm>> -> memref<79x128xi32, #tpu.memory_space<hbm>>
      %dma_wait3A_55 = arith.constant 0 : i32
      %dma_wait3A_56 = arith.constant 0 : i32
      %dma_wait3A_57 = tpu.memref_slice %arg4[%add3A, %dma_wait3A_55, %dma_wait3A_56] : memref<32x79x128xi32, #tpu.memory_space<hbm>> -> memref<1x79x128xi32, #tpu.memory_space<hbm>>
      %dma_wait3A_58 = tpu.memref_squeeze %dma_wait3A_57 : memref<1x79x128xi32, #tpu.memory_space<hbm>> -> memref<79x128xi32, #tpu.memory_space<hbm>>
      tpu.wait_dma2 semaphore(%run_scoped3A : memref<!tpu.dma_semaphore, #tpu.memory_space<semaphore_mem>>) src(%dma_wait3A_58 : memref<79x128xi32, #tpu.memory_space<hbm>>) dst(%arg8 : memref<79x128xi32, #tpu.memory_space<vmem>>)
      tpu.yield
    }) : () -> ()
    %barrier3A = arith.constant 0 : index
    tpu.barrier barrier_id(%barrier3A)
    %scan3A_35 = arith.constant 0 : i32
    %scan3A_36 = arith.constant 79 : i32
    %scan3A_37 = arith.addi %scan3A_35, %scan3A_36 : i32
    %scan3A_38 = arith.constant 1 : i32
    scf.for %scan3A_45 = %scan3A_35 to %scan3A_37 step %scan3A_38  : i32 {
      %mul3A_46 = arith.constant 1 : i32
      %mul3A_47 = arith.muli %scan3A_45, %mul3A_46 : i32
      %add3A_48 = arith.constant 0 : i32
      %add3A_49 = arith.addi %add3A_48, %mul3A_47 : i32
      "tpu.region"() ({
        %run_scoped3A = tpu.sem_alloc : memref<!tpu.dma_semaphore, #tpu.memory_space<semaphore_mem>>
        %dma_start3A = arith.constant 0 : i32
        %dma_start3A_50 = tpu.memref_slice %arg7[%add3A_49, %dma_start3A] : memref<79x128xi32, #tpu.memory_space<vmem>> -> memref<1x128xi32, #tpu.memory_space<vmem>>
        %dma_start3A_51 = tpu.memref_squeeze %dma_start3A_50 : memref<1x128xi32, #tpu.memory_space<vmem>> -> memref<128xi32, #tpu.memory_space<vmem>>
        %dma_start3A_52 = arith.constant 0 : i32
        %dma_start3A_53 = arith.constant 0 : i32
        %dma_start3A_54 = tpu.memref_slice %arg2[%dma_start3A_52, %dma_start3A_53] : memref<10000x128xf32, #tpu.memory_space<hbm>> -> memref<10000x128xf32, #tpu.memory_space<hbm>>
        tpu.enqueue_indirect_dma source(%dma_start3A_54 : memref<10000x128xf32, #tpu.memory_space<hbm>>) target(%arg9 : memref<128x128xf32, #tpu.memory_space<vmem>>) offsets(%dma_start3A_51 : memref<128xi32, #tpu.memory_space<vmem>>) semaphore(%run_scoped3A : memref<!tpu.dma_semaphore, #tpu.memory_space<semaphore_mem>>)
        %dma_wait3A = arith.constant 0 : i32
        %dma_wait3A_55 = tpu.memref_slice %arg7[%add3A_49, %dma_wait3A] : memref<79x128xi32, #tpu.memory_space<vmem>> -> memref<1x128xi32, #tpu.memory_space<vmem>>
        %dma_wait3A_56 = tpu.memref_squeeze %dma_wait3A_55 : memref<1x128xi32, #tpu.memory_space<vmem>> -> memref<128xi32, #tpu.memory_space<vmem>>
        %dma_wait3A_57 = arith.constant 0 : i32
        %dma_wait3A_58 = arith.constant 0 : i32
        %dma_wait3A_59 = tpu.memref_slice %arg2[%dma_wait3A_57, %dma_wait3A_58] : memref<10000x128xf32, #tpu.memory_space<hbm>> -> memref<10000x128xf32, #tpu.memory_space<hbm>>
        tpu.wait_indirect_dma semaphore(%run_scoped3A : memref<!tpu.dma_semaphore, #tpu.memory_space<semaphore_mem>>) src(%dma_wait3A_59 : memref<10000x128xf32, #tpu.memory_space<hbm>>) dst(%arg9 : memref<128x128xf32, #tpu.memory_space<vmem>>)
        tpu.yield
      }) : () -> ()
      "tpu.region"() ({
        %run_scoped3A = tpu.sem_alloc : memref<!tpu.dma_semaphore, #tpu.memory_space<semaphore_mem>>
        %dma_start3A = arith.constant 0 : i32
        %dma_start3A_50 = tpu.memref_slice %arg8[%add3A_49, %dma_start3A] : memref<79x128xi32, #tpu.memory_space<vmem>> -> memref<1x128xi32, #tpu.memory_space<vmem>>
        %dma_start3A_51 = tpu.memref_squeeze %dma_start3A_50 : memref<1x128xi32, #tpu.memory_space<vmem>> -> memref<128xi32, #tpu.memory_space<vmem>>
        %dma_start3A_52 = arith.constant 0 : i32
        %dma_start3A_53 = arith.constant 0 : i32
        %dma_start3A_54 = tpu.memref_slice %arg6[%dma_start3A_52, %dma_start3A_53] : memref<10240x128xf32, #tpu.memory_space<vmem_shared>> -> memref<10240x128xf32, #tpu.memory_space<vmem_shared>>
        tpu.enqueue_indirect_dma source(%arg9 : memref<128x128xf32, #tpu.memory_space<vmem>>) target(%dma_start3A_54 : memref<10240x128xf32, #tpu.memory_space<vmem_shared>>) offsets(%dma_start3A_51 : memref<128xi32, #tpu.memory_space<vmem>>) semaphore(%run_scoped3A : memref<!tpu.dma_semaphore, #tpu.memory_space<semaphore_mem>>) {add = true}
        %dma_wait3A = arith.constant 0 : i32
        %dma_wait3A_55 = tpu.memref_slice %arg8[%add3A_49, %dma_wait3A] : memref<79x128xi32, #tpu.memory_space<vmem>> -> memref<1x128xi32, #tpu.memory_space<vmem>>
        %dma_wait3A_56 = tpu.memref_squeeze %dma_wait3A_55 : memref<1x128xi32, #tpu.memory_space<vmem>> -> memref<128xi32, #tpu.memory_space<vmem>>
        %dma_wait3A_57 = arith.constant 0 : i32
        %dma_wait3A_58 = arith.constant 0 : i32
        %dma_wait3A_59 = tpu.memref_slice %arg6[%dma_wait3A_57, %dma_wait3A_58] : memref<10240x128xf32, #tpu.memory_space<vmem_shared>> -> memref<10240x128xf32, #tpu.memory_space<vmem_shared>>
        tpu.wait_indirect_dma semaphore(%run_scoped3A : memref<!tpu.dma_semaphore, #tpu.memory_space<semaphore_mem>>) src(%arg9 : memref<128x128xf32, #tpu.memory_space<vmem>>) dst(%dma_wait3A_59 : memref<10240x128xf32, #tpu.memory_space<vmem_shared>>)
        tpu.yield
      }) : () -> ()
    }
    %scan3A_39 = arith.constant 79 : i32
    %barrier3A_40 = arith.constant 0 : index
    tpu.barrier barrier_id(%barrier3A_40)
    %mul3A_41 = arith.constant 640 : i32
    %mul3A_42 = arith.muli %arg1, %mul3A_41 : i32
    %mul3A_43 = arith.constant 640 : i32
    %mul3A_44 = arith.muli %arg1, %mul3A_43 : i32
    "tpu.region"() ({
      %run_scoped3A = tpu.sem_alloc : memref<!tpu.dma_semaphore, #tpu.memory_space<semaphore_mem>>
      %dma_start3A = arith.constant 0 : i32
      %dma_start3A_45 = arith.constant 0 : i32
      %dma_start3A_46 = tpu.memref_slice %arg5[%arg0, %dma_start3A, %dma_start3A_45] : memref<2x10240x128xf32, #tpu.memory_space<hbm>> -> memref<1x10240x128xf32, #tpu.memory_space<hbm>>
      %dma_start3A_47 = tpu.memref_squeeze %dma_start3A_46 : memref<1x10240x128xf32, #tpu.memory_space<hbm>> -> memref<10240x128xf32, #tpu.memory_space<hbm>>
      %dma_start3A_48 = arith.constant 0 : i32
      %dma_start3A_49 = tpu.memref_slice %dma_start3A_47[%mul3A_44, %dma_start3A_48] : memref<10240x128xf32, #tpu.memory_space<hbm>> -> memref<640x128xf32, #tpu.memory_space<hbm>>
      %dma_start3A_50 = arith.constant 0 : i32
      %dma_start3A_51 = tpu.memref_slice %arg6[%mul3A_42, %dma_start3A_50] : memref<10240x128xf32, #tpu.memory_space<vmem_shared>> -> memref<640x128xf32, #tpu.memory_space<vmem_shared>>
      tpu.enqueue_dma source(%dma_start3A_51 : memref<640x128xf32, #tpu.memory_space<vmem_shared>>) target(%dma_start3A_49 : memref<640x128xf32, #tpu.memory_space<hbm>>) target_semaphore(%run_scoped3A : memref<!tpu.dma_semaphore, #tpu.memory_space<semaphore_mem>>)
      %dma_wait3A = arith.constant 0 : i32
      %dma_wait3A_52 = arith.constant 0 : i32
      %dma_wait3A_53 = tpu.memref_slice %arg5[%arg0, %dma_wait3A, %dma_wait3A_52] : memref<2x10240x128xf32, #tpu.memory_space<hbm>> -> memref<1x10240x128xf32, #tpu.memory_space<hbm>>
      %dma_wait3A_54 = tpu.memref_squeeze %dma_wait3A_53 : memref<1x10240x128xf32, #tpu.memory_space<hbm>> -> memref<10240x128xf32, #tpu.memory_space<hbm>>
      %dma_wait3A_55 = arith.constant 0 : i32
      %dma_wait3A_56 = tpu.memref_slice %dma_wait3A_54[%mul3A_44, %dma_wait3A_55] : memref<10240x128xf32, #tpu.memory_space<hbm>> -> memref<640x128xf32, #tpu.memory_space<hbm>>
      %dma_wait3A_57 = arith.constant 0 : i32
      %dma_wait3A_58 = tpu.memref_slice %arg6[%mul3A_42, %dma_wait3A_57] : memref<10240x128xf32, #tpu.memory_space<vmem_shared>> -> memref<640x128xf32, #tpu.memory_space<vmem_shared>>
      tpu.wait_dma2 semaphore(%run_scoped3A : memref<!tpu.dma_semaphore, #tpu.memory_space<semaphore_mem>>) src(%dma_wait3A_58 : memref<640x128xf32, #tpu.memory_space<vmem_shared>>) dst(%dma_wait3A_56 : memref<640x128xf32, #tpu.memory_space<hbm>>)
      tpu.yield
    }) : () -> ()
    return
  }
}

module attributes {stable_mosaic.version = 14 : i64} {
  func.func @_tc_mlp_body(%arg0: i32, %arg1: memref<1x1xf32, #tpu.memory_space<smem>>, %arg2: memref<1000x128xf32, #tpu.memory_space<vmem>>, %arg3: memref<1x1000x128xf32, #tpu.memory_space<vmem>>, %arg4: memref<1x1000x128xf32, #tpu.memory_space<vmem>>, %arg5: memref<128x128xf32, #tpu.memory_space<vmem>>, %arg6: memref<1x128xf32, #tpu.memory_space<vmem>>, %arg7: memref<128x128xf32, #tpu.memory_space<vmem>>, %arg8: memref<1x128xf32, #tpu.memory_space<vmem>>, %arg9: memref<1000x128xf32, #tpu.memory_space<vmem>>) attributes {dimension_semantics = [#tpu.dimension_semantics<arbitrary>], iteration_bounds = array<i64: 10>, scalar_prefetch = 0 : i64, scratch_operands = 0 : i64, tpu.core_type = #tpu.core_type<tc>, window_params = [{transform_indices = @transform_0, window_bounds = array<i64: 1, 1>}, {transform_indices = @transform_1, window_bounds = array<i64: 1000, 128>}, {transform_indices = @transform_2, window_bounds = array<i64: 1, 1000, 128>}, {transform_indices = @transform_3, window_bounds = array<i64: 1, 1000, 128>}, {pipeline_mode = #tpu.pipeline_mode<synchronous>, transform_indices = @transform_4, window_bounds = array<i64: 128, 128>}, {pipeline_mode = #tpu.pipeline_mode<synchronous>, transform_indices = @transform_5, window_bounds = array<i64: 1, 128>}, {pipeline_mode = #tpu.pipeline_mode<synchronous>, transform_indices = @transform_6, window_bounds = array<i64: 128, 128>}, {pipeline_mode = #tpu.pipeline_mode<synchronous>, transform_indices = @transform_7, window_bounds = array<i64: 1, 128>}, {transform_indices = @transform_8, window_bounds = array<i64: 1000, 128>}]} {
    %get3A = arith.constant 0 : index
    %get3A_0 = arith.constant 0 : index
    %get3A_1 = memref.load %arg1[%get3A, %get3A_0] : memref<1x1xf32, #tpu.memory_space<smem>>
    %add3A = arith.constant 1.000000e+00 : f32
    %add3A_2 = arith.addf %add3A, %get3A_1 : f32
    %get3A_3 = arith.constant 0 : index
    %get3A_4 = arith.constant 0 : index
    %get3A_5 = vector.load %arg2[%get3A_3, %get3A_4] : memref<1000x128xf32, #tpu.memory_space<vmem>>, vector<1000x128xf32>
    %mul3A = vector.broadcast %add3A_2 : f32 to vector<1000x128xf32>
    %mul3A_6 = arith.mulf %mul3A, %get3A_5 : vector<1000x128xf32>
    %get3A_7 = arith.constant 0 : index
    %get3A_8 = arith.constant 0 : index
    %get3A_9 = arith.constant 0 : index
    %get3A_10 = vector.load %arg3[%get3A_7, %get3A_8, %get3A_9] : memref<1x1000x128xf32, #tpu.memory_space<vmem>>, vector<1x1000x128xf32>
    %get3A_11 = vector.shape_cast %get3A_10 : vector<1x1000x128xf32> to vector<1000x128xf32>
    %add3A_12 = arith.addf %mul3A_6, %get3A_11 : vector<1000x128xf32>
    %get3A_13 = arith.constant 0 : index
    %get3A_14 = arith.constant 0 : index
    %get3A_15 = arith.constant 0 : index
    %get3A_16 = vector.load %arg4[%get3A_13, %get3A_14, %get3A_15] : memref<1x1000x128xf32, #tpu.memory_space<vmem>>, vector<1x1000x128xf32>
    %get3A_17 = vector.shape_cast %get3A_16 : vector<1x1000x128xf32> to vector<1000x128xf32>
    %add3A_18 = arith.addf %add3A_12, %get3A_17 : vector<1000x128xf32>
    %get3A_19 = arith.constant 0 : index
    %get3A_20 = arith.constant 0 : index
    %get3A_21 = vector.load %arg5[%get3A_19, %get3A_20] : memref<128x128xf32, #tpu.memory_space<vmem>>, vector<128x128xf32>
    %dot_general3A = arith.constant dense<0.000000e+00> : vector<1000x128xf32>
    %dot_general3A_22 = tpu.matmul %add3A_18, %get3A_21, %dot_general3A {dimension_numbers = #tpu.dot_dimension_numbers<[1], [0], [0], [1], [0, 0, 1, 1], [], []>, transpose_lhs_hint = false} : vector<1000x128xf32>, vector<128x128xf32>, vector<1000x128xf32> -> vector<1000x128xf32>
    %get3A_23 = arith.constant 0 : index
    %get3A_24 = arith.constant 0 : index
    %get3A_25 = vector.load %arg6[%get3A_23, %get3A_24] : memref<1x128xf32, #tpu.memory_space<vmem>>, vector<1x128xf32>
    %add3A_26 = vector.broadcast %get3A_25 : vector<1x128xf32> to vector<1000x128xf32>
    %add3A_27 = arith.addf %dot_general3A_22, %add3A_26 : vector<1000x128xf32>
    %max3A = arith.constant 0.000000e+00 : f32
    %max3A_28 = vector.broadcast %max3A : f32 to vector<1000x128xf32>
    %max3A_29 = arith.maximumf %add3A_27, %max3A_28 : vector<1000x128xf32>
    %get3A_30 = arith.constant 0 : index
    %get3A_31 = arith.constant 0 : index
    %get3A_32 = vector.load %arg7[%get3A_30, %get3A_31] : memref<128x128xf32, #tpu.memory_space<vmem>>, vector<128x128xf32>
    %dot_general3A_33 = arith.constant dense<0.000000e+00> : vector<1000x128xf32>
    %dot_general3A_34 = tpu.matmul %max3A_29, %get3A_32, %dot_general3A_33 {dimension_numbers = #tpu.dot_dimension_numbers<[1], [0], [0], [1], [0, 0, 1, 1], [], []>, transpose_lhs_hint = false} : vector<1000x128xf32>, vector<128x128xf32>, vector<1000x128xf32> -> vector<1000x128xf32>
    %get3A_35 = arith.constant 0 : index
    %get3A_36 = arith.constant 0 : index
    %get3A_37 = vector.load %arg8[%get3A_35, %get3A_36] : memref<1x128xf32, #tpu.memory_space<vmem>>, vector<1x128xf32>
    %add3A_38 = vector.broadcast %get3A_37 : vector<1x128xf32> to vector<1000x128xf32>
    %add3A_39 = arith.addf %dot_general3A_34, %add3A_38 : vector<1000x128xf32>
    %swap3A = arith.constant 0 : index
    %swap3A_40 = arith.constant 0 : index
    %swap3A_41 = vector.load %arg9[%swap3A, %swap3A_40] : memref<1000x128xf32, #tpu.memory_space<vmem>>, vector<1000x128xf32>
    tpu.vector_store %arg9[%swap3A, %swap3A_40], %add3A_39 {strides = array<i32>} : memref<1000x128xf32, #tpu.memory_space<vmem>>, vector<1000x128xf32>,
    return
  }
  func.func @transform_0(%arg0: i32) -> (i32, i32) {
    %c0_i32 = arith.constant 0 : i32
    %c0_i32_0 = arith.constant 0 : i32
    %c0_i32_1 = arith.constant 0 : i32
    return %c0_i32, %c0_i32_0 : i32, i32
  }
  func.func @transform_1(%arg0: i32) -> (i32, i32) {
    %c0_i32 = arith.constant 0 : i32
    %c0_i32_0 = arith.constant 0 : i32
    return %arg0, %c0_i32 : i32, i32
  }
  func.func @transform_2(%arg0: i32) -> (i32, i32, i32) {
    %c0_i32 = arith.constant 0 : i32
    %c0_i32_0 = arith.constant 0 : i32
    %c0_i32_1 = arith.constant 0 : i32
    return %c0_i32, %arg0, %c0_i32_0 : i32, i32, i32
  }
  func.func @transform_3(%arg0: i32) -> (i32, i32, i32) {
    %c1_i32 = arith.constant 1 : i32
    %c0_i32 = arith.constant 0 : i32
    %c0_i32_0 = arith.constant 0 : i32
    return %c1_i32, %arg0, %c0_i32 : i32, i32, i32
  }
  func.func @transform_4(%arg0: i32) -> (i32, i32) {
    %c0_i32 = arith.constant 0 : i32
    %c0_i32_0 = arith.constant 0 : i32
    %c0_i32_1 = arith.constant 0 : i32
    return %c0_i32, %c0_i32_0 : i32, i32
  }
  func.func @transform_5(%arg0: i32) -> (i32, i32) {
    %c0_i32 = arith.constant 0 : i32
    %c0_i32_0 = arith.constant 0 : i32
    %c0_i32_1 = arith.constant 0 : i32
    return %c0_i32, %c0_i32_0 : i32, i32
  }
  func.func @transform_6(%arg0: i32) -> (i32, i32) {
    %c0_i32 = arith.constant 0 : i32
    %c0_i32_0 = arith.constant 0 : i32
    %c0_i32_1 = arith.constant 0 : i32
    return %c0_i32, %c0_i32_0 : i32, i32
  }
  func.func @transform_7(%arg0: i32) -> (i32, i32) {
    %c0_i32 = arith.constant 0 : i32
    %c0_i32_0 = arith.constant 0 : i32
    %c0_i32_1 = arith.constant 0 : i32
    return %c0_i32, %c0_i32_0 : i32, i32
  }
  func.func @transform_8(%arg0: i32) -> (i32, i32) {
    %c0_i32 = arith.constant 0 : i32
    %c0_i32_0 = arith.constant 0 : i32
    return %arg0, %c0_i32 : i32, i32
  }
}

</mosaic_0001>

<sc_bundles>
// kernel: kernel.4.cloned.1.call-start
scs
__scs_entry_jumppad:
0x0: {  	(pc) =	sbr.rel $0x88, $3  }
0x1: {  	(tag) =	ssettag $0x0;
	lr =	simm.s32 $0x1  }
0x2: {  	[smem:$0x3F9A] =	sst lr;
	_ =	strace $0xD0000000  }
0x3: {  	_ = 	snop  }
0x4: {  	_ = 	snop  }
0x5: {  	_ = 	snop  }
0x6: {  	_ = 	snop  }
0x7: {  	_ = 	snop  }
__scs_overlays_trampoline_lowered:
0x8: {  	[smem:$0x3FA9] =	sst s0  }
0x9: {  	[smem:$0x3FAA] =	sst s1  }
0xa: {  	[smem:$0x3FAB] =	sst s2  }
0xb: {  	[smem:$0x3FAC] =	sst s3  }
0xc: {  	[smem:$0x3FAD] =	sst s4  }
0xd: {  	[smem:$0x3FAE] =	sst s5  }
0xe: {  	[smem:$0x3FAF] =	sst s6  }
0xf: {  	[smem:$0x3FB0] =	sst s7  }
0x10: {  	[smem:$0x3FB1] =	sst s8  }
0x11: {  	[smem:$0x3FB2] =	sst s9;
	s0 =	simm.s32 @!p0 $0x0  }
0x12: {  	s1 =	sld [smem:$0x3F98];
	s0 =	simm.s32 @p0 $0x1  }
0x13: {  	[smem:$0x3FB3] =	sst s0;
	s0 =	simm.s32 @!p1 $0x0  }
0x14: {  	s2 =	sld [smem:$0x3F97];
	s0 =	simm.s32 @p1 $0x1  }
0x15: {  	[smem:$0x3FB4] =	sst s0;
	s0 =	simm.s32 @!p2 $0x0  }
0x16: {  	s3 =	sld [smem:$0x3FDB];
	s0 =	simm.s32 @p2 $0x1  }
0x17: {  	s4 =	simm.s32 $0x1BF5;
	[smem:$0x3FB6] =	sst s0  }
0x18: {  	s0 =	sld [smem:$0x3F99];
	_ =	swait.ge [sflag:s4], $0x0  }
0x19: {  	s7 =	sld [smem:$0x3F9A]  }
0x1a: {  	s8 =	sadd.s32 $0xFFFFE003, lr  }
0x1b: {  	s9 =	sadd.s32 $0xFFFFFEF7, lr;
	s5 =	simm.s32 $0xFFFFFFFF;
	p2 =	slt.u32 s8, $0xFFFFF086  }
0x1c: {  	p1 =	slt.u32 s9, $0xF7A;
	s5 =	simm.s32 @!p2 $0x0  }
0x1d: {  	s5 =	simm.s32 @p1 $0x1;
	p0 =	seq.s32 s7, s2  }
0x1e: {  	s7 =	smul.u32 @!p0 $0xF7A, s2;
	p2 =	seq.s32 @!p0 s5, $0x0  }
0x1f: {  	s9 =	smul.u32 $0xF7A, s1;
	s8 =	simm.s32 @!p0 $0x1BF5;
	p2 =	por !p2, p0  }
0x20: {  	[sflag:s8] =	ssyncset.s32 @!p0 $0xFFFFF086;
	s6 =	sadd.s32 @!p0 s3, s7;
	s7 =	simm.s32 @!p0 $0x108  }
0x21: {  	s3 =	sadd.s32 s3, s9;
	s6 =	sadd.s32 @!p0 $0x88, s6;
	s7 =	simm.s32 @p2 $0x1082  }
0x22: {  	[simem:s7], [sflag:s8] =	dma.local @!p0 [hbm:s6], $0xF7A  }
0x23: {  	s9 =	sor.u32 $0xD0000000, s2;
	s6 =	simm.s32 $0x108;
	_ =	swait.ge @!p0 [sflag:s8], $0x0  }
0x24: {  	s3 =	sadd.s32 $0x88, s3;
	s6 =	simm.s32 @!p1 $0x1082;
	[sflag:s4] =	ssyncset.s32 $0xFFFFF086  }
0x25: {  	[simem:s6], [sflag:s4] =	dma.local [hbm:s3], $0xF7A  }
0x26: {  	[smem:$0x3F9A] =	sst s1;
	(tag) =	ssettag s2;
	_ =	strace s9  }
0x27: {  	s1 =	sld [smem:$0x3FAA]  }
0x28: {  	s2 =	sld [smem:$0x3FAB]  }
0x29: {  	s4 =	sld [smem:$0x3FAD]  }
0x2a: {  	p0 =	seq.s32 s5, $0x0;
	s5 =	sld [smem:$0x3FAE]  }
0x2b: {  	s6 =	sld [smem:$0x3FAF]  }
0x2c: {  	s7 =	sld [smem:$0x3FB0]  }
0x2d: {  	s3 =	simm.s32 $0x108;
	s8 =	sld [smem:$0x3FB1]  }
0x2e: {  	s3 =	simm.s32 @!p0 $0x1082;
	s9 =	sld [smem:$0x3FB2]  }
0x2f: {  	lr =	sadd.s32 s0, s3;
	s0 =	sld [smem:$0x3FA9]  }
0x30: {  	s3 =	sld [smem:$0x3FAC]  }
0x31: {  	[smem:$0x3FB5] =	sst s10  }
0x32: {  	s10 =	sld [smem:$0x3FB3];
	_ =	sdelay $0x3  }
0x33: {  	p0 =	seq.s32 s10, $0x1;
	s10 =	sld [smem:$0x3FB5];
	_ =	sdelay $0x3  }
0x34: {  	[smem:$0x3FB5] =	sst s10  }
0x35: {  	s10 =	sld [smem:$0x3FB4];
	_ =	sdelay $0x3  }
0x36: {  	p1 =	seq.s32 s10, $0x1;
	s10 =	sld [smem:$0x3FB5];
	_ =	sdelay $0x3  }
0x37: {  	[smem:$0x3FB5] =	sst s10  }
0x38: {  	s10 =	sld [smem:$0x3FB6]  }
0x39: {  	_ = 	snop;
	(pc) =	sbr.ind lr, $3  }
0x3a: {  	_ = 	snop  }
0x3b: {  	_ = 	snop  }
0x3c: {  	p2 =	seq.s32 s10, $0x1;
	s10 =	sld [smem:$0x3FB5]  }
0x3d: {  	_ =	shalt  }
0x3e: {  	_ =	shalt  }
0x3f: {  	_ =	shalt  }
0x40: {  	_ =	shalt  }
0x41: {  	_ =	shalt  }
0x42: {  	_ =	shalt  }
0x43: {  	_ =	shalt  }
0x44: {  	_ =	shalt  }
0x45: {  	_ =	shalt  }
0x46: {  	_ =	shalt  }
0x47: {  	_ =	shalt  }
0x48: {  	_ =	shalt  }
0x49: {  	_ =	shalt  }
0x4a: {  	_ =	shalt  }
0x4b: {  	_ =	shalt  }
0x4c: {  	_ =	shalt  }
0x4d: {  	_ =	shalt  }
0x4e: {  	_ =	shalt  }
0x4f: {  	_ =	shalt  }
0x50: {  	_ =	shalt  }
0x51: {  	_ =	shalt  }
0x52: {  	_ =	shalt  }
0x53: {  	_ =	shalt  }
0x54: {  	_ =	shalt  }
0x55: {  	_ =	shalt  }
0x56: {  	_ =	shalt  }
0x57: {  	_ =	shalt  }
0x58: {  	_ =	shalt  }
0x59: {  	_ =	shalt  }
0x5a: {  	_ =	shalt  }
0x5b: {  	_ =	shalt  }
0x5c: {  	_ =	shalt  }
0x5d: {  	_ =	shalt  }
0x5e: {  	_ =	shalt  }
0x5f: {  	_ =	shalt  }
0x60: {  	_ =	shalt  }
0x61: {  	_ =	shalt  }
0x62: {  	_ =	shalt  }
0x63: {  	_ =	shalt  }
0x64: {  	_ =	shalt  }
0x65: {  	_ =	shalt  }
0x66: {  	_ =	shalt  }
0x67: {  	_ =	shalt  }
0x68: {  	_ =	shalt  }
0x69: {  	_ =	shalt  }
0x6a: {  	_ =	shalt  }
0x6b: {  	_ =	shalt  }
0x6c: {  	_ =	shalt  }
0x6d: {  	_ =	shalt  }
0x6e: {  	_ =	shalt  }
0x6f: {  	_ =	shalt  }
0x70: {  	_ =	shalt  }
0x71: {  	_ =	shalt  }
0x72: {  	_ =	shalt  }
0x73: {  	_ =	shalt  }
0x74: {  	_ =	shalt  }
0x75: {  	_ =	shalt  }
0x76: {  	_ =	shalt  }
0x77: {  	_ =	shalt  }
0x78: {  	_ =	shalt  }
0x79: {  	_ =	shalt  }
0x7a: {  	_ =	shalt  }
0x7b: {  	_ =	shalt  }
0x7c: {  	_ =	shalt  }
0x7d: {  	_ =	shalt  }
0x7e: {  	_ =	shalt  }
0x7f: {  	_ =	shalt  }
0x80: {  	_ =	shalt  }
0x81: {  	_ =	shalt  }
0x82: {  	_ =	shalt  }
0x83: {  	_ =	shalt  }
0x84: {  	_ =	shalt  }
0x85: {  	_ =	shalt  }
0x86: {  	_ =	shalt  }
0x87: {  	_ =	shalt  }
.Lfunc_end0:
.L_simem_size_0:
called_computation_lowered:
.L_overlay_start_0:
0x88: {  	s2 =	sld [smem:$0x3FD9]  }
0x89: {  	s3 =	sld [smem:$0x3FFE];
	_ =	sdelay $0x1  }
0x8a: {  	s1 =	srdreg.scid  }
0x8b: {  	s0 =	sand.u32 $0x1, s1  }
0x8c: {  	s17 =	sshll.u32 s0, $0xA;
	s2 =	sadd.s32 s3, s2  }
0x8d: {  	s2 =	sadd.s32 s2, s17  }
0x8e: {  	[smem:$0x3FC1] =	sst s2  }
0x8f: {  	_ = 	snop  }
0x90: {  	s2 =	sld [smem:$0x3FC9]  }
0x91: {  	s18 =	sld [smem:$0x3FD0];
	(tm) =	ssettm $0x1  }
0x92: {  	s4 =	sld [smem:$0x3FFB];
	_ =	sdelay $0x3  }
0x93: {  	_ =	strace s4  }
0x94: {  	s4 =	sld [smem:$0x3FFC];
	_ =	sdelay $0x3  }
0x95: {  	_ =	strace s4  }
0x96: {  	s4 =	sld [smem:$0x3FFD];
	_ =	sdelay $0x3  }
0x97: {  	_ =	strace s4  }
0x98: {  	_ =	strace $0x8FFFFFFF  }
0x99: {  	s19 =	sld [smem:$0x3FDB];
	_ =	sdelay $0x1  }
0x9a: {  	s5 =	simm.s32 $_scs_section_size  }
0x9b: {  	s6 =	simm.s32 $_size__tile_overlayer_lowered;
	s7 =	simm.s32 $_tile_overlayer_lowered  }
0x9c: {  	s22 =	simm.s32 $0x1BFF;
	s21 =	sshll.u32 s7, $0x1;
	s4 =	sadd.s32 s5, s19  }
0x9d: {  	s8 =	simm.s32 $0x0;
	s20 =	sshll.u32 s6, $0x1;
	s6 =	sadd.s32 s21, s4  }
0x9e: {  	[timem:s8], [sflag:s22] =	dma.local [hbm:s6], s20  }
0x9f: {  	_ =	swait.ge [sflag:s22], s20  }
0xa0: {  	s5 =	ssub.s32 $0x0, s20;
	[sflag:s22] =	ssyncset.done $0x0  }
0xa1: {  	[sflag:s22] =	ssyncadd.s32 s5;
	_ =	sdelay $0x1  }
0xa2: {  	s23 =	simm.s32 $0x1B8B  }
0xa3: {  	_ =	swait.ge [sflag:s23], $0x1  }
0xa4: {  	[sflag:s23] =	ssyncset.done $0x0  }
0xa5: {  	s25 =	simm.s32 $0x1B8E;
	s24 =	sld [smem:$0x3FFE];
	[sflag:s23] =	ssyncadd.s32 $0xFFFFFFFF  }
0xa6: {  	s26 =	simm.s32 $execute0_lowered;
	[smem:$0x3FD2] =	sst s25  }
0xa7: {  	s6 =	sshll.u32 s26, $0x1;
	_ =	strace $0x80000046;
	[dreg:$0x1] =	wrdreg $0xFFFFFFFF  }
0xa8: {  	s28 =	simm.s32 $_size_execute0_lowered;
	s4 =	sadd.s32 s4, s6;
	[dreg:$0x0] =	wrdreg $0x0  }
0xa9: {  	s6 =	sshll.u32 s28, $0x1;
	[dreg:$0x2] =	wrdreg s4  }
0xaa: {  	[dreg:$0x3] =	wrdreg s6  }
0xab: {  	[dreg:$0x4] =	wrdreg $0xC0  }
0xac: {  	_ =	task [dreg:s8], $0x5FFFF  }
0xad: {  	[dreg:$0x1] =	wrdreg $0xFFFFFFFF  }
0xae: {  	[dreg:$0x0] =	wrdreg $0x60  }
0xaf: {  	[dreg:$0x2] =	wrdreg s2  }
0xb0: {  	[dreg:$0x3] =	wrdreg s18  }
0xb1: {  	[dreg:$0x4] =	wrdreg s24  }
0xb2: {  	[dreg:$0x5] =	wrdreg $0x0  }
0xb3: {  	[dreg:$0x6] =	wrdreg $0x9  }
0xb4: {  	_ =	task.clear_ibuf [dreg:s8], $0x7FFFF;
	_ =	strace $0x90000046  }
0xb5: {  	s29 =	simm.s32 $0x9;
	_ =	strace $0x80000048  }
0xb6: {  	_ =	swait.ge [sflag:s29], $0x1  }
0xb7: {  	[sflag:s29] =	ssyncadd.s32 $0xFFFFFFFF  }
0xb8: {  	_ =	strace $0x90000048  }
0xb9: {  	_ =	sfence  }
0xba: {  	s30 =	sld [smem:$0x0];
	_ =	sdelay $0x2  }
0xbb: {  	s31 =	sshll.u32 s1, $0xD;
	s1 =	sshrl.u32 s1, $0x2  }
0xbc: {  	s3 =	sand.u32 $0x4000, s31;
	s1 =	sadd.s32 s1, s30  }
0xbd: {  	s0 =	sor.u32 s3, s0;
	s1 =	sshll.u32 s1, $0x11  }
0xbe: {  	s0 =	sor.u32 s1, s0  }
0xbf: {  	s0 =	sadd.s32 $0x8F2B, s0  }
0xc0: {  	[sflag:s0] =	ssyncadd.remote.s32 $0x1  }
0xc1: {  	_ =	sfence.sel $0xFFFF  }
0xc2: {  	[dreg:$0x0] =	wrdreg $0xFFFFFFFF;
	(pc) =	sbr.abs _section_cstart, $3  }
0xc3: {  	[dreg:$0x1] =	wrdreg $0xFFFFFFFF  }
0xc4: {  	_ =	task.clear_ibuf [dreg:s8], $0x2FFFF;
	_ =	strace $0x9FFFFFFF  }
0xc5: {  	(tm) =	ssettm $0x7FFFFFFF  }
tec
execute0_lowered:
.L_overlay_start_1:
0x0: {  	(tag) =	ssettag $0x1  }
0x1: {  	s0 =	rddreg [dreg:$0x0]  }
0x2: {  	s10 =	rddreg [dreg:$0x1]  }
0x3: {  	s6 =	rddreg [dreg:$0x2]  }
0x4: {  	s1 =	srdreg.scid;
	s3 =	rddreg [dreg:$0x3]  }
0x5: {  	s4 =	simm.s32 $0x0;
	s5 =	sand.u32 $0x1, s1;
	s1 =	stileid.u32  }
0x6: {  	s15 =	simm.s32 $0x14000;
	s16 =	simm.s32 $0x16800;
	s31 =	smul.u32 $0x50000, s1  }
0x7: {  	s17 =	simm.s32 $0x80;
	[smem:$0x7FF] =	sst s4;
	s8 =	smul.u32 $0x28000, s5  }
0x8: {  	s2 =	sshll.u32 s5, $0x4;
	s5 =	ssub.s32 $0x2, s5;
	s19 =	smul.u32 $0x2800, s1  }
0x9: {  	s20 =	sshll.u32 s1, $0x6;
	s7 =	sor.u32 s1, s2;
	s2 =	rddreg [dreg:$0x4]  }
0xa: {  	_ =	strace $0x80000047;
	s9 =	sshrl.u32 s5, $0x1;
	s11 =	smul.u32 $0x500, s7  }
0xb: {  	s7 =	sshrl.u32 s31, $0x2;
	s13 =	sadd.s32 s8, s6;
	s14 =	ssub.s32 s5, s9  }
0xc: {  	s5 =	sadd.s32 s7, s3;
	s18 =	sadd.s32 $0xAE00, s13;
	s13 =	simm.s32 $0x19000  }
0xd: {  	s12 =	sadd.s32 s11, s6;
	s6 =	sadd.s32 $0x4000, s5;
	s7 =	sadd.s32 $0x8000, s5  }
0xe: {  	s8 =	sadd.s32 $0xC000, s5;
	s9 =	sadd.s32 $0x10000, s5;
	s10 =	sadd.s32 s10, s11  }
0xf: {  	s18 =	sadd.s32 s19, s18;
	s19 =	sor.u32 $0x1C01, s20;
	s20 =	sshrl.u32 s5, $0x3  }
0x10: {  	v0 =	vimm.f32 $0.0e+00;
	s11 =	sadd.s32 $0xE00, s12;
	s12 =	smax.u32 s14, $0x1;
	s14 =	simm.s32 $0x1  }
.LBB2_1:
0x11: {  	s21 =	simm.s32 $0x0;
	s22 =	simm.s32 $0x200  }
.LBB2_2:
0x12: {  	p0 =	sne.s32 s22, $0xFE00;
	[tilespmem:s21+$0x19070] =	vst v0  }
0x13: {  	[tilespmem:s21+$0x19000] =	vst v0  }
0x14: {  	[tilespmem:s21+$0x19010] =	vst v0  }
.Ltmp0:
0x15: {  	[tilespmem:s21+$0x19020] =	vst v0;
	(pc) =	sbr.rel @p0 .LBB2_2-.Ltmp0, $4  }
0x16: {  	[tilespmem:s21+$0x19030] =	vst v0  }
0x17: {  	[tilespmem:s21+$0x19040] =	vst v0  }
0x18: {  	[tilespmem:s21+$0x19050] =	vst v0  }
0x19: {  	[tilespmem:s21+$0x19060] =	vst v0;
	s21 =	sshra.s32 s22, $0x2;
	s22 =	sadd.s32 $0x200, s22  }
0x1a: {  	[tilespmem:s21+$0x19070] =	vst v0  }
0x1b: {  	[tilespmem:s21+$0x19000] =	vst v0  }
0x1c: {  	[tilespmem:s21+$0x19010] =	vst v0  }
0x1d: {  	[tilespmem:s21+$0x19020] =	vst v0  }
0x1e: {  	[tilespmem:s21+$0x19030] =	vst v0  }
0x1f: {  	[tilespmem:s21+$0x19040] =	vst v0  }
0x20: {  	[tilespmem:s21+$0x19050] =	vst v0  }
0x21: {  	[tilespmem:s21+$0x19060] =	vst v0  }
0x22: {  	[spmem:s5] =	stream.linear.scatter [tilespmem:s13], [sflag:$0x1], $0x4000, $0x38;
	[tilespmem:$0x1D000] =	vst v63  }
0x23: {  	_ =	swait.ge [sflag:s14], $0x4000  }
0x24: {  	[sflag:s14] =	ssyncset.done $0x0  }
0x25: {  	[sflag:s14] =	ssyncadd.s32 $0xFFFFC000  }
0x26: {  	[spmem:s6] =	stream.linear.scatter [tilespmem:s13], [sflag:$0x1], $0x4000, $0x38;
	[tilespmem:$0x1D000] =	vst v63  }
0x27: {  	_ =	swait.ge [sflag:s14], $0x4000  }
0x28: {  	[sflag:s14] =	ssyncset.done $0x0  }
0x29: {  	[sflag:s14] =	ssyncadd.s32 $0xFFFFC000  }
0x2a: {  	[spmem:s7] =	stream.linear.scatter [tilespmem:s13], [sflag:$0x1], $0x4000, $0x38;
	[tilespmem:$0x1D000] =	vst v63  }
0x2b: {  	_ =	swait.ge [sflag:s14], $0x4000  }
0x2c: {  	[sflag:s14] =	ssyncset.done $0x0  }
0x2d: {  	[sflag:s14] =	ssyncadd.s32 $0xFFFFC000  }
0x2e: {  	[spmem:s8] =	stream.linear.scatter [tilespmem:s13], [sflag:$0x1], $0x4000, $0x38;
	[tilespmem:$0x1D000] =	vst v63  }
0x2f: {  	_ =	swait.ge [sflag:s14], $0x4000  }
0x30: {  	[sflag:s14] =	ssyncset.done $0x0  }
0x31: {  	[sflag:s14] =	ssyncadd.s32 $0xFFFFC000  }
0x32: {  	[spmem:s9] =	stream.linear.scatter [tilespmem:s13], [sflag:$0x1], $0x4000, $0x38;
	[tilespmem:$0x1D000] =	vst v63  }
0x33: {  	_ =	swait.ge [sflag:s14], $0x4000  }
0x34: {  	[sflag:s14] =	ssyncset.done $0x0  }
0x35: {  	s29 =	simm.s32 $0x0;
	[sflag:s14] =	ssyncadd.s32 $0xFFFFC000  }
0x36: {  	[tilespmem:s15], [sflag:$0x1] =	stream.linear.gather [hbm4b:s10+s29], $0x2780, $0x38;
	[tilespmem:$0x1D000] =	vst v63  }
0x37: {  	_ =	swait.ge [sflag:s14], $0x2780  }
0x38: {  	[sflag:s14] =	ssyncset.done $0x0  }
0x39: {  	[sflag:s14] =	ssyncadd.s32 $0xFFFFD880  }
0x3a: {  	[tilespmem:s16], [sflag:$0x1] =	stream.linear.gather [hbm4b:s11+s29], $0x2780, $0x38;
	[tilespmem:$0x1D000] =	vst v63  }
0x3b: {  	_ =	swait.ge [sflag:s14], $0x2780  }
0x3c: {  	[sflag:s14] =	ssyncset.done $0x0  }
0x3d: {  	[sflag:s14] =	ssyncadd.s32 $0xFFFFD880  }
0x3e: {  	s30 =	simm.s32 $0x14000;
	[bflag:$0x0] =	sbarrier.arrive $0xFFFF  }
0x3f: {  	[tilespmem:s13], [sflag:$0x1] =	stream.indirect.gather [hbm4b:s0+s17], $0x80, s30, s17, $0xb8;
	[tilespmem:$0x1D000] =	vst v63  }
0x40: {  	_ =	swait.ge [sflag:s14], $0x4000  }
0x41: {  	[sflag:s14] =	ssyncset.done $0x0  }
0x42: {  	s31 =	simm.s32 $0x16800;
	[sflag:s14] =	ssyncadd.s32 $0xFFFFC000  }
0x43: {  	[spmem:s3] =	stream.indirect.scatter.add.f32 [tilespmem:s13], [sflag:$0x1], $0x80, s31, s17, $0xb8;
	[tilespmem:$0x1D000] =	vst v63  }
0x44: {  	_ =	swait.ge [sflag:s14], $0x4000  }
0x45: {  	s22 =	simm.s32 $0x400;
	s21 =	simm.s32 $0x80;
	[sflag:s14] =	ssyncset.done $0x0  }
.LBB2_4:
0x46: {  	s23 =	sadd.s32 $0x14000, s21  }
0x47: {  	[sflag:s14] =	ssyncadd.s32 $0xFFFFC000;
	s24 =	smov.u32 s22;
	s25 =	sadd.s32 $0x200, s22  }
0x48: {  	[tilespmem:s13], [sflag:$0x1] =	stream.indirect.gather [hbm4b:s0+s17], $0x80, s23, s17, $0xb8;
	[tilespmem:$0x1D000] =	vst v63  }
0x49: {  	p0 =	sne.s32 s22, $0x9C00;
	_ =	swait.ge [sflag:s14], $0x4000  }
.Ltmp1:
0x4a: {  	[sflag:s14] =	ssyncset.done $0x0;
	(pc) =	sbr.rel @p0 .LBB2_4-.Ltmp1, $4  }
0x4b: {  	s21 =	sadd.s32 $0x16800, s21;
	[sflag:s14] =	ssyncadd.s32 $0xFFFFC000  }
0x4c: {  	[spmem:s3] =	stream.indirect.scatter.add.f32 [tilespmem:s13], [sflag:$0x1], $0x80, s21, s17, $0xb8;
	[tilespmem:$0x1D000] =	vst v63  }
0x4d: {  	_ =	swait.ge [sflag:s14], $0x4000  }
0x4e: {  	s22 =	smov.u32 s25;
	s21 =	sshra.s32 s24, $0x2;
	[sflag:s14] =	ssyncset.done $0x0  }
0x4f: {  	s22 =	sadd.s32 $0x14000, s21;
	[sflag:s14] =	ssyncadd.s32 $0xFFFFC000  }
0x50: {  	[tilespmem:s13], [sflag:$0x1] =	stream.indirect.gather [hbm4b:s0+s17], $0x80, s22, s17, $0xb8;
	[tilespmem:$0x1D000] =	vst v63  }
0x51: {  	_ =	swait.ge [sflag:s14], $0x4000  }
0x52: {  	[sflag:s14] =	ssyncset.done $0x0  }
0x53: {  	s31 =	sadd.s32 $0x16800, s21;
	[sflag:s14] =	ssyncadd.s32 $0xFFFFC000  }
0x54: {  	[spmem:s3] =	stream.indirect.scatter.add.f32 [tilespmem:s13], [sflag:$0x1], $0x80, s31, s17, $0xb8;
	[tilespmem:$0x1D000] =	vst v63  }
0x55: {  	_ =	swait.ge [sflag:s14], $0x4000  }
0x56: {  	s4 =	sadd.s32 $0x1, s4;
	[sflag:s14] =	ssyncset.done $0x0  }
0x57: {  	p0 =	sne.s32 s4, s12;
	[sflag:s14] =	ssyncadd.s32 $0xFFFFC000  }
.Ltmp2:
0x58: {  	[bflag:$0x0] =	sbarrier.arrive $0xFFFF;
	(pc) =	sbr.rel @p0 .LBB2_1-.Ltmp2, $4  }
0x59: {  	[hbm:s18], [sflag:s19] =	dma.local [spmem:s20], $0x2800  }
0x5a: {  	_ =	swait.ge [sflag:s14], $0x2800  }
0x5b: {  	[sflag:s14] =	ssyncset.done $0x0  }
0x5c: {  	[sflag:s14] =	ssyncadd.s32 $0xFFFFD800  }
0x5d: {  	_ =	sfence.sel $0x180000  }
0x5e: {  	[bflag:$0x0] =	sbarrier.arrive $0xFFFF  }
0x5f: {  	p0 =	sne.s32 s1, $0x0;
	_ =	strace $0x90000047  }
0x60: {  	s0 =	sadd.s32 @!p0 $0x100000, s2;
	[bflag:$0x2] =	sbarrier.arrive $0xFFFF  }
0x61: {  	[sflag:s0] =	ssyncadd.tile.s32 @!p0 $0x1;
	_ =	shalt  }
.Lfunc_end2:
_tile_overlayer_lowered:
.L_overlay_start_2:
0x62: {  	(tag) =	ssettag $0x2  }
0x63: {  	s0 =	rddreg [dreg:$0x0];
	s2 =	stileid.u32  }
0x64: {  	s1 =	rddreg [dreg:$0x1];
	p0 =	sne.s32 s2, $0x0  }
0x65: {  	s3 =	rddreg [dreg:$0x2];
	[bflag:$0x3] =	sbarrier.arrive $0xFFFF;
	s2 =	simm.s32 @!p0 $0x1C01  }
0x66: {  	[timem:s3], [sflag:s2] =	dma.local @!p0 [hbm:s0], s1  }
0x67: {  	s0 =	simm.s32 @!p0 $0x1  }
0x68: {  	_ =	swait.ge @!p0 [sflag:s0], s1  }
0x69: {  	s1 =	ssub.s32 @!p0 $0x0, s1;
	[sflag:s0] =	ssyncset.done @!p0 $0x0  }
0x6a: {  	[sflag:s0] =	ssyncadd.s32 @!p0 s1  }
0x6b: {  	[bflag:$0x3] =	sbarrier.arrive $0xFFFF  }
0x6c: {  	_ =	shalt  }

</sc_bundles>
